<compile_context>
chip_gen: v7x
topology: tpu7x:2x2x1
jax: 0.10.2.dev20260603
libtpu: 0.0.44.dev20260713+nightly
codegen_flags: <defaults>
</compile_context>

<pallas_src>
import functools

import jax
import jax.numpy as jnp
from jax import lax
from jax.experimental import pallas as pl
from jax.experimental.pallas import tpu as pltpu
from jax.experimental.pallas import tpu_sc as plsc

_BATCH = 4096
_CTX = 50
_D = 128
_H = 512
_C = 1000

_NC, _NS = 2, 16
_NW = _NC * _NS
_BPW = _BATCH // _NW


@functools.cache
def _make_bag_kernel():
    @functools.partial(
        pl.kernel,
        out_type=jax.ShapeDtypeStruct((_BATCH, _D), jnp.float32),
        mesh=plsc.VectorSubcoreMesh(core_axis_name="c", subcore_axis_name="s",
                                    num_cores=_NC, num_subcores=_NS),
        scratch_types=[
            pltpu.VMEM((_CTX, _BPW), jnp.int32),
            pltpu.VMEM((_BPW, _D), jnp.float32),
            pltpu.SemaphoreType.DMA,
        ],
    )
    def _bag_kernel(idx_hbm, emb_hbm, out_hbm, idx_v, acc_v, sem):
        c = lax.axis_index("c")
        s = lax.axis_index("s")
        wid = s * _NC + c
        pltpu.sync_copy(idx_hbm.at[wid], idx_v)

        @pl.loop(0, _BPW)
        def _(i):
            @pl.loop(0, _D, step=16)
            def _(j):
                acc_v[i, pl.ds(j, 16)] = jnp.zeros((16,), jnp.float32)

        @pl.loop(0, 16)
        def _(t):
            pltpu.async_copy(emb_hbm.at[idx_v.at[t]], acc_v, sem, add=True)

        @pl.loop(16, _CTX)
        def _(t):
            pltpu.make_async_copy(emb_hbm.at[idx_v.at[0]], acc_v, sem).wait()
            pltpu.async_copy(emb_hbm.at[idx_v.at[t]], acc_v, sem, add=True)

        @pl.loop(0, 16)
        def _(t):
            pltpu.make_async_copy(emb_hbm.at[idx_v.at[0]], acc_v, sem).wait()

        pltpu.sync_copy(acc_v, out_hbm.at[pl.ds(wid * _BPW, _BPW)])

    return _bag_kernel


_BB = 2048


def _mlp_body(bag_ref, w1_ref, b1_ref, w2_ref, b2_ref, out_ref):
    bag = bag_ref[...].astype(jnp.bfloat16)
    h = jnp.dot(bag, w1_ref[...], preferred_element_type=jnp.float32)
    h = jnp.maximum(h + b1_ref[...], 0.0).astype(jnp.bfloat16)
    logits = jnp.dot(h, w2_ref[...], preferred_element_type=jnp.float32) + b2_ref[...]
    m = jnp.max(logits, axis=-1, keepdims=True)
    lse = jnp.log(jnp.sum(jnp.exp(logits - m), axis=-1, keepdims=True)) + m
    out_ref[...] = logits - lse


_mlp = pl.pallas_call(
    _mlp_body,
    grid=(_BATCH // _BB,),
    in_specs=[
        pl.BlockSpec((_BB, _D), lambda i: (i, 0)),
        pl.BlockSpec((_D, _H), lambda i: (0, 0)),
        pl.BlockSpec((1, _H), lambda i: (0, 0)),
        pl.BlockSpec((_H, _C), lambda i: (0, 0)),
        pl.BlockSpec((1, _C), lambda i: (0, 0)),
    ],
    out_specs=pl.BlockSpec((_BB, _C), lambda i: (i, 0)),
    out_shape=jax.ShapeDtypeStruct((_BATCH, _C), jnp.float32),
)


def kernel(indices, emb, W1, b1, W2, b2):
    idx3 = indices.astype(jnp.int32).reshape(_NW, _BPW, _CTX).transpose(0, 2, 1)
    bag = _make_bag_kernel()(idx3, emb)
    return _mlp(bag, W1.astype(jnp.bfloat16), b1.reshape(1, _H),
                W2.astype(jnp.bfloat16), b2.reshape(1, _C))

# --- scband reference (transcript-rebuilt; emitter-appended) ---
"""Pipeline reference for scband-cbow-71330816852281 (READ-ONLY COPY).

The authoritative reference and input builder live on the scoring server;
editing this copy changes nothing except your own understanding.
"""

import jax, jax.numpy as jnp
import numpy as np

VOCAB = 100000
NUM_CLASSES = 1000
EMBED_DIM = 128
HIDDEN_DIM = 512
BATCH = 4096
CTX = 50


def setup_inputs(seed: int = 0) -> dict:
    key = jax.random.key(seed)
    k1, k2, k3, k4, k5, k6 = jax.random.split(key, 6)
    indices = jax.random.randint(k1, (BATCH, CTX), 0, VOCAB, dtype=jnp.int64 if jax.config.jax_enable_x64 else jnp.int32)
    emb = jax.random.normal(k2, (VOCAB, EMBED_DIM), dtype=jnp.float32) * 0.02
    W1 = jax.random.normal(k3, (EMBED_DIM, HIDDEN_DIM), dtype=jnp.float32) * (1.0 / np.sqrt(EMBED_DIM))
    b1 = jnp.zeros((HIDDEN_DIM,), dtype=jnp.float32)
    W2 = jax.random.normal(k4, (HIDDEN_DIM, NUM_CLASSES), dtype=jnp.float32) * (1.0 / np.sqrt(HIDDEN_DIM))
    b2 = jnp.zeros((NUM_CLASSES,), dtype=jnp.float32)
    return {"indices": indices, "emb": emb, "W1": W1, "b1": b1, "W2": W2, "b2": b2}


def reference(indices, emb, W1, b1, W2, b2):
    # embedding lookup + sum over context window (CBOW bag)
    embeds = jnp.take(emb, indices, axis=0)          # [B, CTX, D]
    bag = jnp.sum(embeds, axis=1)                    # [B, D]
    h = jax.nn.relu(bag @ W1 + b1)                   # [B, H]
    logits = h @ W2 + b2                             # [B, C]
    return jax.nn.log_softmax(logits, axis=-1)

if __name__ == "__main__":
    import jax
    _d = setup_inputs()
    print(jax.jit(kernel)(*tuple(_d.values())))

</pallas_src>

<mosaic_0001>
#map = affine_map<(d0, d1) -> (0, 0, 0)>
#map1 = affine_map<(d0, d1) -> (0, 0)>
module attributes {stable_mosaic.version = 14 : i64} {
  func.func @_bag_kernel(%arg0: i32, %arg1: i32, %arg2: memref<32x50x128xi32, #tpu.memory_space<hbm>>, %arg3: memref<100000x128xf32, #tpu.memory_space<hbm>>, %arg4: memref<4096x128xf32, #tpu.memory_space<hbm>>, %arg5: memref<50x128xi32, #tpu.memory_space<vmem>>, %arg6: memref<128x128xf32, #tpu.memory_space<vmem>>, %arg7: memref<!tpu.dma_semaphore, #tpu.memory_space<semaphore_mem>>) attributes {dimension_semantics = [#tpu.dimension_semantics<core_parallel>, #tpu.dimension_semantics<subcore_parallel>], iteration_bounds = array<i64: 2, 16>, scalar_prefetch = 0 : i64, scratch_operands = 3 : i64, tpu.core_type = #tpu.core_type<sc_vector_subcore>, window_params = [{transform_indices = #map}, {transform_indices = #map1}, {transform_indices = #map1}]} {
    %mul3A = arith.constant 2 : i32
    %mul3A_0 = arith.muli %arg1, %mul3A : i32
    %add3A = arith.addi %mul3A_0, %arg0 : i32
    "tpu.region"() ({
      %run_scoped3A = tpu.sem_alloc : memref<!tpu.dma_semaphore, #tpu.memory_space<semaphore_mem>>
      %dma_start3A = arith.constant 0 : i32
      %dma_start3A_22 = arith.constant 0 : i32
      %dma_start3A_23 = tpu.memref_slice %arg2[%add3A, %dma_start3A, %dma_start3A_22] : memref<32x50x128xi32, #tpu.memory_space<hbm>> -> memref<1x50x128xi32, #tpu.memory_space<hbm>>
      %dma_start3A_24 = tpu.memref_squeeze %dma_start3A_23 : memref<1x50x128xi32, #tpu.memory_space<hbm>> -> memref<50x128xi32, #tpu.memory_space<hbm>>
      %dma_start3A_25 = arith.constant 0 : i32
      %dma_start3A_26 = arith.constant 0 : i32
      %dma_start3A_27 = tpu.memref_slice %arg2[%add3A, %dma_start3A_25, %dma_start3A_26] : memref<32x50x128xi32, #tpu.memory_space<hbm>> -> memref<1x50x128xi32, #tpu.memory_space<hbm>>
      %dma_start3A_28 = tpu.memref_squeeze %dma_start3A_27 : memref<1x50x128xi32, #tpu.memory_space<hbm>> -> memref<50x128xi32, #tpu.memory_space<hbm>>
      tpu.enqueue_dma source(%dma_start3A_28 : memref<50x128xi32, #tpu.memory_space<hbm>>) target(%arg5 : memref<50x128xi32, #tpu.memory_space<vmem>>) target_semaphore(%run_scoped3A : memref<!tpu.dma_semaphore, #tpu.memory_space<semaphore_mem>>)
      %dma_wait3A = arith.constant 0 : i32
      %dma_wait3A_29 = arith.constant 0 : i32
      %dma_wait3A_30 = tpu.memref_slice %arg2[%add3A, %dma_wait3A, %dma_wait3A_29] : memref<32x50x128xi32, #tpu.memory_space<hbm>> -> memref<1x50x128xi32, #tpu.memory_space<hbm>>
      %dma_wait3A_31 = tpu.memref_squeeze %dma_wait3A_30 : memref<1x50x128xi32, #tpu.memory_space<hbm>> -> memref<50x128xi32, #tpu.memory_space<hbm>>
      %dma_wait3A_32 = arith.constant 0 : i32
      %dma_wait3A_33 = arith.constant 0 : i32
      %dma_wait3A_34 = tpu.memref_slice %arg2[%add3A, %dma_wait3A_32, %dma_wait3A_33] : memref<32x50x128xi32, #tpu.memory_space<hbm>> -> memref<1x50x128xi32, #tpu.memory_space<hbm>>
      %dma_wait3A_35 = tpu.memref_squeeze %dma_wait3A_34 : memref<1x50x128xi32, #tpu.memory_space<hbm>> -> memref<50x128xi32, #tpu.memory_space<hbm>>
      tpu.wait_dma2 semaphore(%run_scoped3A : memref<!tpu.dma_semaphore, #tpu.memory_space<semaphore_mem>>) src(%dma_wait3A_35 : memref<50x128xi32, #tpu.memory_space<hbm>>) dst(%arg5 : memref<50x128xi32, #tpu.memory_space<vmem>>)
      tpu.yield
    }) : () -> ()
    %scan3A = arith.constant 0 : i32
    %scan3A_1 = arith.constant 128 : i32
    %scan3A_2 = arith.addi %scan3A, %scan3A_1 : i32
    %scan3A_3 = arith.constant 1 : i32
    scf.for %scan3A_22 = %scan3A to %scan3A_2 step %scan3A_3  : i32 {
      %mul3A_23 = arith.constant 1 : i32
      %mul3A_24 = arith.muli %scan3A_22, %mul3A_23 : i32
      %add3A_25 = arith.constant 0 : i32
      %add3A_26 = arith.addi %add3A_25, %mul3A_24 : i32
      %scan3A_27 = arith.constant 0 : i32
      %scan3A_28 = arith.constant 8 : i32
      %scan3A_29 = arith.addi %scan3A_27, %scan3A_28 : i32
      %scan3A_30 = arith.constant 1 : i32
      scf.for %scan3A_32 = %scan3A_27 to %scan3A_29 step %scan3A_30  : i32 {
        %mul3A_33 = arith.constant 16 : i32
        %mul3A_34 = arith.muli %scan3A_32, %mul3A_33 : i32
        %add3A_35 = arith.constant 0 : i32
        %add3A_36 = arith.addi %add3A_35, %mul3A_34 : i32
        %broadcast_in_dim3A = arith.constant 0.000000e+00 : f32
        %broadcast_in_dim3A_37 = vector.broadcast %broadcast_in_dim3A : f32 to vector<16xf32>
        %swap3A = arith.index_cast %add3A_26 : i32 to index
        %swap3A_38 = arith.index_cast %add3A_36 : i32 to index
        %swap3A_39 = tpu.vector_load %arg6[%swap3A, %swap3A_38] {strides = array<i32>} : memref<128x128xf32, #tpu.memory_space<vmem>>, vector<1x16xf32>,
        %swap3A_40 = vector.shape_cast %swap3A_39 : vector<1x16xf32> to vector<16xf32>
        %swap3A_41 = vector.shape_cast %broadcast_in_dim3A_37 : vector<16xf32> to vector<1x16xf32>
        tpu.vector_store %arg6[%swap3A, %swap3A_38], %swap3A_41 {strides = array<i32>} : memref<128x128xf32, #tpu.memory_space<vmem>>, vector<1x16xf32>,
      }
      %scan3A_31 = arith.constant 8 : i32
    }
    %scan3A_4 = arith.constant 128 : i32
    %scan3A_5 = arith.constant 0 : i32
    %scan3A_6 = arith.constant 16 : i32
    %scan3A_7 = arith.addi %scan3A_5, %scan3A_6 : i32
    %scan3A_8 = arith.constant 1 : i32
    scf.for %scan3A_22 = %scan3A_5 to %scan3A_7 step %scan3A_8  : i32 {
      %mul3A_23 = arith.constant 1 : i32
      %mul3A_24 = arith.muli %scan3A_22, %mul3A_23 : i32
      %add3A_25 = arith.constant 0 : i32
      %add3A_26 = arith.addi %add3A_25, %mul3A_24 : i32
      %dma_start3A = arith.constant 0 : i32
      %dma_start3A_27 = tpu.memref_slice %arg5[%add3A_26, %dma_start3A] : memref<50x128xi32, #tpu.memory_space<vmem>> -> memref<1x128xi32, #tpu.memory_space<vmem>>
      %dma_start3A_28 = tpu.memref_squeeze %dma_start3A_27 : memref<1x128xi32, #tpu.memory_space<vmem>> -> memref<128xi32, #tpu.memory_space<vmem>>
      %dma_start3A_29 = arith.constant 0 : i32
      %dma_start3A_30 = arith.constant 0 : i32
      %dma_start3A_31 = tpu.memref_slice %arg3[%dma_start3A_29, %dma_start3A_30] : memref<100000x128xf32, #tpu.memory_space<hbm>> -> memref<100000x128xf32, #tpu.memory_space<hbm>>
      tpu.enqueue_indirect_dma source(%dma_start3A_31 : memref<100000x128xf32, #tpu.memory_space<hbm>>) target(%arg6 : memref<128x128xf32, #tpu.memory_space<vmem>>) offsets(%dma_start3A_28 : memref<128xi32, #tpu.memory_space<vmem>>) semaphore(%arg7 : memref<!tpu.dma_semaphore, #tpu.memory_space<semaphore_mem>>) {add = true}
    }
    %scan3A_9 = arith.constant 16 : i32
    %scan3A_10 = arith.constant 0 : i32
    %scan3A_11 = arith.constant 34 : i32
    %scan3A_12 = arith.addi %scan3A_10, %scan3A_11 : i32
    %scan3A_13 = arith.constant 1 : i32
    scf.for %scan3A_22 = %scan3A_10 to %scan3A_12 step %scan3A_13  : i32 {
      %mul3A_23 = arith.constant 1 : i32
      %mul3A_24 = arith.muli %scan3A_22, %mul3A_23 : i32
      %add3A_25 = arith.constant 16 : i32
      %add3A_26 = arith.addi %add3A_25, %mul3A_24 : i32
      %dma_wait3A = arith.constant 0 : i32
      %dma_wait3A_27 = arith.constant 0 : i32
      %dma_wait3A_28 = tpu.memref_slice %arg5[%dma_wait3A, %dma_wait3A_27] : memref<50x128xi32, #tpu.memory_space<vmem>> -> memref<1x128xi32, #tpu.memory_space<vmem>>
      %dma_wait3A_29 = tpu.memref_squeeze %dma_wait3A_28 : memref<1x128xi32, #tpu.memory_space<vmem>> -> memref<128xi32, #tpu.memory_space<vmem>>
      %dma_wait3A_30 = arith.constant 0 : i32
      %dma_wait3A_31 = arith.constant 0 : i32
      %dma_wait3A_32 = tpu.memref_slice %arg3[%dma_wait3A_30, %dma_wait3A_31] : memref<100000x128xf32, #tpu.memory_space<hbm>> -> memref<100000x128xf32, #tpu.memory_space<hbm>>
      tpu.wait_indirect_dma semaphore(%arg7 : memref<!tpu.dma_semaphore, #tpu.memory_space<semaphore_mem>>) src(%dma_wait3A_32 : memref<100000x128xf32, #tpu.memory_space<hbm>>) dst(%arg6 : memref<128x128xf32, #tpu.memory_space<vmem>>)
      %dma_start3A = arith.constant 0 : i32
      %dma_start3A_33 = tpu.memref_slice %arg5[%add3A_26, %dma_start3A] : memref<50x128xi32, #tpu.memory_space<vmem>> -> memref<1x128xi32, #tpu.memory_space<vmem>>
      %dma_start3A_34 = tpu.memref_squeeze %dma_start3A_33 : memref<1x128xi32, #tpu.memory_space<vmem>> -> memref<128xi32, #tpu.memory_space<vmem>>
      %dma_start3A_35 = arith.constant 0 : i32
      %dma_start3A_36 = arith.constant 0 : i32
      %dma_start3A_37 = tpu.memref_slice %arg3[%dma_start3A_35, %dma_start3A_36] : memref<100000x128xf32, #tpu.memory_space<hbm>> -> memref<100000x128xf32, #tpu.memory_space<hbm>>
      tpu.enqueue_indirect_dma source(%dma_start3A_37 : memref<100000x128xf32, #tpu.memory_space<hbm>>) target(%arg6 : memref<128x128xf32, #tpu.memory_space<vmem>>) offsets(%dma_start3A_34 : memref<128xi32, #tpu.memory_space<vmem>>) semaphore(%arg7 : memref<!tpu.dma_semaphore, #tpu.memory_space<semaphore_mem>>) {add = true}
    }
    %scan3A_14 = arith.constant 34 : i32
    %scan3A_15 = arith.constant 0 : i32
    %scan3A_16 = arith.constant 16 : i32
    %scan3A_17 = arith.addi %scan3A_15, %scan3A_16 : i32
    %scan3A_18 = arith.constant 1 : i32
    scf.for %scan3A_22 = %scan3A_15 to %scan3A_17 step %scan3A_18  : i32 {
      %mul3A_23 = arith.constant 1 : i32
      %mul3A_24 = arith.muli %scan3A_22, %mul3A_23 : i32
      %add3A_25 = arith.constant 0 : i32
      %add3A_26 = arith.addi %add3A_25, %mul3A_24 : i32
      %dma_wait3A = arith.constant 0 : i32
      %dma_wait3A_27 = arith.constant 0 : i32
      %dma_wait3A_28 = tpu.memref_slice %arg5[%dma_wait3A, %dma_wait3A_27] : memref<50x128xi32, #tpu.memory_space<vmem>> -> memref<1x128xi32, #tpu.memory_space<vmem>>
      %dma_wait3A_29 = tpu.memref_squeeze %dma_wait3A_28 : memref<1x128xi32, #tpu.memory_space<vmem>> -> memref<128xi32, #tpu.memory_space<vmem>>
      %dma_wait3A_30 = arith.constant 0 : i32
      %dma_wait3A_31 = arith.constant 0 : i32
      %dma_wait3A_32 = tpu.memref_slice %arg3[%dma_wait3A_30, %dma_wait3A_31] : memref<100000x128xf32, #tpu.memory_space<hbm>> -> memref<100000x128xf32, #tpu.memory_space<hbm>>
      tpu.wait_indirect_dma semaphore(%arg7 : memref<!tpu.dma_semaphore, #tpu.memory_space<semaphore_mem>>) src(%dma_wait3A_32 : memref<100000x128xf32, #tpu.memory_space<hbm>>) dst(%arg6 : memref<128x128xf32, #tpu.memory_space<vmem>>)
    }
    %scan3A_19 = arith.constant 16 : i32
    %mul3A_20 = arith.constant 128 : i32
    %mul3A_21 = arith.muli %add3A, %mul3A_20 : i32
    "tpu.region"() ({
      %run_scoped3A = tpu.sem_alloc : memref<!tpu.dma_semaphore, #tpu.memory_space<semaphore_mem>>
      %dma_start3A = arith.constant 0 : i32
      %dma_start3A_22 = tpu.memref_slice %arg4[%mul3A_21, %dma_start3A] : memref<4096x128xf32, #tpu.memory_space<hbm>> -> memref<128x128xf32, #tpu.memory_space<hbm>>
      %dma_start3A_23 = arith.constant 0 : i32
      %dma_start3A_24 = tpu.memref_slice %arg4[%mul3A_21, %dma_start3A_23] : memref<4096x128xf32, #tpu.memory_space<hbm>> -> memref<128x128xf32, #tpu.memory_space<hbm>>
      tpu.enqueue_dma source(%arg6 : memref<128x128xf32, #tpu.memory_space<vmem>>) target(%dma_start3A_24 : memref<128x128xf32, #tpu.memory_space<hbm>>) target_semaphore(%run_scoped3A : memref<!tpu.dma_semaphore, #tpu.memory_space<semaphore_mem>>)
      %dma_wait3A = arith.constant 0 : i32
      %dma_wait3A_25 = tpu.memref_slice %arg4[%mul3A_21, %dma_wait3A] : memref<4096x128xf32, #tpu.memory_space<hbm>> -> memref<128x128xf32, #tpu.memory_space<hbm>>
      %dma_wait3A_26 = arith.constant 0 : i32
      %dma_wait3A_27 = tpu.memref_slice %arg4[%mul3A_21, %dma_wait3A_26] : memref<4096x128xf32, #tpu.memory_space<hbm>> -> memref<128x128xf32, #tpu.memory_space<hbm>>
      tpu.wait_dma2 semaphore(%run_scoped3A : memref<!tpu.dma_semaphore, #tpu.memory_space<semaphore_mem>>) src(%arg6 : memref<128x128xf32, #tpu.memory_space<vmem>>) dst(%dma_wait3A_27 : memref<128x128xf32, #tpu.memory_space<hbm>>)
      tpu.yield
    }) : () -> ()
    return
  }
}

module attributes {stable_mosaic.version = 14 : i64} {
  func.func @_mlp_body(%arg0: i32, %arg1: memref<2048x128xf32, #tpu.memory_space<vmem>>, %arg2: memref<128x512xbf16, #tpu.memory_space<vmem>>, %arg3: memref<1x512xf32, #tpu.memory_space<vmem>>, %arg4: memref<512x1000xbf16, #tpu.memory_space<vmem>>, %arg5: memref<1x1000xf32, #tpu.memory_space<vmem>>, %arg6: memref<2048x1000xf32, #tpu.memory_space<vmem>>) attributes {dimension_semantics = [#tpu.dimension_semantics<arbitrary>], iteration_bounds = array<i64: 2>, scalar_prefetch = 0 : i64, scratch_operands = 0 : i64, tpu.core_type = #tpu.core_type<tc>, window_params = [{transform_indices = @transform_0, window_bounds = array<i64: 2048, 128>}, {pipeline_mode = #tpu.pipeline_mode<synchronous>, transform_indices = @transform_1, window_bounds = array<i64: 128, 512>}, {pipeline_mode = #tpu.pipeline_mode<synchronous>, transform_indices = @transform_2, window_bounds = array<i64: 1, 512>}, {pipeline_mode = #tpu.pipeline_mode<synchronous>, transform_indices = @transform_3, window_bounds = array<i64: 512, 1000>}, {pipeline_mode = #tpu.pipeline_mode<synchronous>, transform_indices = @transform_4, window_bounds = array<i64: 1, 1000>}, {transform_indices = @transform_5, window_bounds = array<i64: 2048, 1000>}]} {
    %get3A = arith.constant 0 : index
    %get3A_0 = arith.constant 0 : index
    %get3A_1 = vector.load %arg1[%get3A, %get3A_0] : memref<2048x128xf32, #tpu.memory_space<vmem>>, vector<2048x128xf32>
    %convert_element_type3A = arith.truncf %get3A_1 : vector<2048x128xf32> to vector<2048x128xbf16>
    %get3A_2 = arith.constant 0 : index
    %get3A_3 = arith.constant 0 : index
    %get3A_4 = vector.load %arg2[%get3A_2, %get3A_3] : memref<128x512xbf16, #tpu.memory_space<vmem>>, vector<128x512xbf16>
    %dot_general3A = arith.constant dense<0.000000e+00> : vector<2048x512xf32>
    %dot_general3A_5 = tpu.matmul %convert_element_type3A, %get3A_4, %dot_general3A {dimension_numbers = #tpu.dot_dimension_numbers<[1], [0], [0], [1], [0, 0, 1, 1], [], []>, transpose_lhs_hint = false} : vector<2048x128xbf16>, vector<128x512xbf16>, vector<2048x512xf32> -> vector<2048x512xf32>
    %get3A_6 = arith.constant 0 : index
    %get3A_7 = arith.constant 0 : index
    %get3A_8 = vector.load %arg3[%get3A_6, %get3A_7] : memref<1x512xf32, #tpu.memory_space<vmem>>, vector<1x512xf32>
    %add3A = vector.broadcast %get3A_8 : vector<1x512xf32> to vector<2048x512xf32>
    %add3A_9 = arith.addf %dot_general3A_5, %add3A : vector<2048x512xf32>
    %max3A = arith.constant 0.000000e+00 : f32
    %max3A_10 = vector.broadcast %max3A : f32 to vector<2048x512xf32>
    %max3A_11 = arith.maximumf %add3A_9, %max3A_10 : vector<2048x512xf32>
    %convert_element_type3A_12 = arith.truncf %max3A_11 : vector<2048x512xf32> to vector<2048x512xbf16>
    %get3A_13 = arith.constant 0 : index
    %get3A_14 = arith.constant 0 : index
    %get3A_15 = vector.load %arg4[%get3A_13, %get3A_14] : memref<512x1000xbf16, #tpu.memory_space<vmem>>, vector<512x1000xbf16>
    %dot_general3A_16 = arith.constant dense<0.000000e+00> : vector<2048x1000xf32>
    %dot_general3A_17 = tpu.matmul %convert_element_type3A_12, %get3A_15, %dot_general3A_16 {dimension_numbers = #tpu.dot_dimension_numbers<[1], [0], [0], [1], [0, 0, 1, 1], [], []>, transpose_lhs_hint = false} : vector<2048x512xbf16>, vector<512x1000xbf16>, vector<2048x1000xf32> -> vector<2048x1000xf32>
    %get3A_18 = arith.constant 0 : index
    %get3A_19 = arith.constant 0 : index
    %get3A_20 = vector.load %arg5[%get3A_18, %get3A_19] : memref<1x1000xf32, #tpu.memory_space<vmem>>, vector<1x1000xf32>
    %add3A_21 = vector.broadcast %get3A_20 : vector<1x1000xf32> to vector<2048x1000xf32>
    %add3A_22 = arith.addf %dot_general3A_17, %add3A_21 : vector<2048x1000xf32>
    %reduce_max3A = arith.constant dense<0xFF800000> : vector<2048xf32>
    %reduce_max3A_23 = vector.multi_reduction <maximumf>, %add3A_22, %reduce_max3A [1] : vector<2048x1000xf32> to vector<2048xf32>
    %broadcast_in_dim3A = vector.shape_cast %reduce_max3A_23 : vector<2048xf32> to vector<2048x1xf32>
    %sub3A = vector.broadcast %broadcast_in_dim3A : vector<2048x1xf32> to vector<2048x1000xf32>
    %sub3A_24 = arith.subf %add3A_22, %sub3A : vector<2048x1000xf32>
    %exp3A = math.exp %sub3A_24 : vector<2048x1000xf32>
    %reduce_sum3A = arith.constant dense<0.000000e+00> : vector<2048xf32>
    %reduce_sum3A_25 = vector.multi_reduction <add>, %exp3A, %reduce_sum3A [1] : vector<2048x1000xf32> to vector<2048xf32>
    %broadcast_in_dim3A_26 = vector.shape_cast %reduce_sum3A_25 : vector<2048xf32> to vector<2048x1xf32>
    %log3A = math.log %broadcast_in_dim3A_26 : vector<2048x1xf32>
    %add3A_27 = arith.addf %log3A, %broadcast_in_dim3A : vector<2048x1xf32>
    %sub3A_28 = vector.broadcast %add3A_27 : vector<2048x1xf32> to vector<2048x1000xf32>
    %sub3A_29 = arith.subf %add3A_22, %sub3A_28 : vector<2048x1000xf32>
    %swap3A = arith.constant 0 : index
    %swap3A_30 = arith.constant 0 : index
    %swap3A_31 = vector.load %arg6[%swap3A, %swap3A_30] : memref<2048x1000xf32, #tpu.memory_space<vmem>>, vector<2048x1000xf32>
    tpu.vector_store %arg6[%swap3A, %swap3A_30], %sub3A_29 {strides = array<i32>} : memref<2048x1000xf32, #tpu.memory_space<vmem>>, vector<2048x1000xf32>,
    return
  }
  func.func @transform_0(%arg0: i32) -> (i32, i32) {
    %c0_i32 = arith.constant 0 : i32
    %c0_i32_0 = arith.constant 0 : i32
    return %arg0, %c0_i32 : i32, i32
  }
  func.func @transform_1(%arg0: i32) -> (i32, i32) {
    %c0_i32 = arith.constant 0 : i32
    %c0_i32_0 = arith.constant 0 : i32
    %c0_i32_1 = arith.constant 0 : i32
    return %c0_i32, %c0_i32_0 : i32, i32
  }
  func.func @transform_2(%arg0: i32) -> (i32, i32) {
    %c0_i32 = arith.constant 0 : i32
    %c0_i32_0 = arith.constant 0 : i32
    %c0_i32_1 = arith.constant 0 : i32
    return %c0_i32, %c0_i32_0 : i32, i32
  }
  func.func @transform_3(%arg0: i32) -> (i32, i32) {
    %c0_i32 = arith.constant 0 : i32
    %c0_i32_0 = arith.constant 0 : i32
    %c0_i32_1 = arith.constant 0 : i32
    return %c0_i32, %c0_i32_0 : i32, i32
  }
  func.func @transform_4(%arg0: i32) -> (i32, i32) {
    %c0_i32 = arith.constant 0 : i32
    %c0_i32_0 = arith.constant 0 : i32
    %c0_i32_1 = arith.constant 0 : i32
    return %c0_i32, %c0_i32_0 : i32, i32
  }
  func.func @transform_5(%arg0: i32) -> (i32, i32) {
    %c0_i32 = arith.constant 0 : i32
    %c0_i32_0 = arith.constant 0 : i32
    return %arg0, %c0_i32 : i32, i32
  }
}

</mosaic_0001>

<sc_bundles>
// kernel: kernel.4.cloned.1.call-start
scs
__scs_entry_jumppad:
0x0: {  	(pc) =	sbr.rel $0x88, $3  }
0x1: {  	(tag) =	ssettag $0x0;
	lr =	simm.s32 $0x1  }
0x2: {  	[smem:$0x3F9B] =	sst lr;
	_ =	strace $0xD0000000  }
0x3: {  	_ = 	snop  }
0x4: {  	_ = 	snop  }
0x5: {  	_ = 	snop  }
0x6: {  	_ = 	snop  }
0x7: {  	_ = 	snop  }
__scs_overlays_trampoline_lowered:
0x8: {  	[smem:$0x3FAA] =	sst s0  }
0x9: {  	[smem:$0x3FAB] =	sst s1  }
0xa: {  	[smem:$0x3FAC] =	sst s2  }
0xb: {  	[smem:$0x3FAD] =	sst s3  }
0xc: {  	[smem:$0x3FAE] =	sst s4  }
0xd: {  	[smem:$0x3FAF] =	sst s5  }
0xe: {  	[smem:$0x3FB0] =	sst s6  }
0xf: {  	[smem:$0x3FB1] =	sst s7  }
0x10: {  	[smem:$0x3FB2] =	sst s8  }
0x11: {  	[smem:$0x3FB3] =	sst s9;
	s0 =	simm.s32 @!p0 $0x0  }
0x12: {  	s1 =	sld [smem:$0x3F99];
	s0 =	simm.s32 @p0 $0x1  }
0x13: {  	[smem:$0x3FB4] =	sst s0;
	s0 =	simm.s32 @!p1 $0x0  }
0x14: {  	s2 =	sld [smem:$0x3F98];
	s0 =	simm.s32 @p1 $0x1  }
0x15: {  	[smem:$0x3FB5] =	sst s0;
	s0 =	simm.s32 @!p2 $0x0  }
0x16: {  	s3 =	sld [smem:$0x3FDB];
	s0 =	simm.s32 @p2 $0x1  }
0x17: {  	s4 =	simm.s32 $0x1BF5;
	[smem:$0x3FB7] =	sst s0  }
0x18: {  	s0 =	sld [smem:$0x3F9A];
	_ =	swait.ge [sflag:s4], $0x0  }
0x19: {  	s7 =	sld [smem:$0x3F9B]  }
0x1a: {  	s8 =	sadd.s32 $0xFFFFE003, lr  }
0x1b: {  	s9 =	sadd.s32 $0xFFFFFEF7, lr;
	s5 =	simm.s32 $0xFFFFFFFF;
	p2 =	slt.u32 s8, $0xFFFFF086  }
0x1c: {  	p1 =	slt.u32 s9, $0xF7A;
	s5 =	simm.s32 @!p2 $0x0  }
0x1d: {  	s5 =	simm.s32 @p1 $0x1;
	p0 =	seq.s32 s7, s2  }
0x1e: {  	s7 =	smul.u32 @!p0 $0xF7A, s2;
	p2 =	seq.s32 @!p0 s5, $0x0  }
0x1f: {  	s9 =	smul.u32 $0xF7A, s1;
	s8 =	simm.s32 @!p0 $0x1BF5;
	p2 =	por !p2, p0  }
0x20: {  	[sflag:s8] =	ssyncset.s32 @!p0 $0xFFFFF086;
	s6 =	sadd.s32 @!p0 s3, s7;
	s7 =	simm.s32 @!p0 $0x108  }
0x21: {  	s3 =	sadd.s32 s3, s9;
	s6 =	sadd.s32 @!p0 $0x88, s6;
	s7 =	simm.s32 @p2 $0x1082  }
0x22: {  	[simem:s7], [sflag:s8] =	dma.local @!p0 [hbm:s6], $0xF7A  }
0x23: {  	s9 =	sor.u32 $0xD0000000, s2;
	s6 =	simm.s32 $0x108;
	_ =	swait.ge @!p0 [sflag:s8], $0x0  }
0x24: {  	s3 =	sadd.s32 $0x88, s3;
	s6 =	simm.s32 @!p1 $0x1082;
	[sflag:s4] =	ssyncset.s32 $0xFFFFF086  }
0x25: {  	[simem:s6], [sflag:s4] =	dma.local [hbm:s3], $0xF7A  }
0x26: {  	[smem:$0x3F9B] =	sst s1;
	(tag) =	ssettag s2;
	_ =	strace s9  }
0x27: {  	s1 =	sld [smem:$0x3FAB]  }
0x28: {  	s2 =	sld [smem:$0x3FAC]  }
0x29: {  	s4 =	sld [smem:$0x3FAE]  }
0x2a: {  	p0 =	seq.s32 s5, $0x0;
	s5 =	sld [smem:$0x3FAF]  }
0x2b: {  	s6 =	sld [smem:$0x3FB0]  }
0x2c: {  	s7 =	sld [smem:$0x3FB1]  }
0x2d: {  	s3 =	simm.s32 $0x108;
	s8 =	sld [smem:$0x3FB2]  }
0x2e: {  	s3 =	simm.s32 @!p0 $0x1082;
	s9 =	sld [smem:$0x3FB3]  }
0x2f: {  	lr =	sadd.s32 s0, s3;
	s0 =	sld [smem:$0x3FAA]  }
0x30: {  	s3 =	sld [smem:$0x3FAD]  }
0x31: {  	[smem:$0x3FB6] =	sst s10  }
0x32: {  	s10 =	sld [smem:$0x3FB4];
	_ =	sdelay $0x3  }
0x33: {  	p0 =	seq.s32 s10, $0x1;
	s10 =	sld [smem:$0x3FB6];
	_ =	sdelay $0x3  }
0x34: {  	[smem:$0x3FB6] =	sst s10  }
0x35: {  	s10 =	sld [smem:$0x3FB5];
	_ =	sdelay $0x3  }
0x36: {  	p1 =	seq.s32 s10, $0x1;
	s10 =	sld [smem:$0x3FB6];
	_ =	sdelay $0x3  }
0x37: {  	[smem:$0x3FB6] =	sst s10  }
0x38: {  	s10 =	sld [smem:$0x3FB7]  }
0x39: {  	_ = 	snop;
	(pc) =	sbr.ind lr, $3  }
0x3a: {  	_ = 	snop  }
0x3b: {  	_ = 	snop  }
0x3c: {  	p2 =	seq.s32 s10, $0x1;
	s10 =	sld [smem:$0x3FB6]  }
0x3d: {  	_ =	shalt  }
0x3e: {  	_ =	shalt  }
0x3f: {  	_ =	shalt  }
0x40: {  	_ =	shalt  }
0x41: {  	_ =	shalt  }
0x42: {  	_ =	shalt  }
0x43: {  	_ =	shalt  }
0x44: {  	_ =	shalt  }
0x45: {  	_ =	shalt  }
0x46: {  	_ =	shalt  }
0x47: {  	_ =	shalt  }
0x48: {  	_ =	shalt  }
0x49: {  	_ =	shalt  }
0x4a: {  	_ =	shalt  }
0x4b: {  	_ =	shalt  }
0x4c: {  	_ =	shalt  }
0x4d: {  	_ =	shalt  }
0x4e: {  	_ =	shalt  }
0x4f: {  	_ =	shalt  }
0x50: {  	_ =	shalt  }
0x51: {  	_ =	shalt  }
0x52: {  	_ =	shalt  }
0x53: {  	_ =	shalt  }
0x54: {  	_ =	shalt  }
0x55: {  	_ =	shalt  }
0x56: {  	_ =	shalt  }
0x57: {  	_ =	shalt  }
0x58: {  	_ =	shalt  }
0x59: {  	_ =	shalt  }
0x5a: {  	_ =	shalt  }
0x5b: {  	_ =	shalt  }
0x5c: {  	_ =	shalt  }
0x5d: {  	_ =	shalt  }
0x5e: {  	_ =	shalt  }
0x5f: {  	_ =	shalt  }
0x60: {  	_ =	shalt  }
0x61: {  	_ =	shalt  }
0x62: {  	_ =	shalt  }
0x63: {  	_ =	shalt  }
0x64: {  	_ =	shalt  }
0x65: {  	_ =	shalt  }
0x66: {  	_ =	shalt  }
0x67: {  	_ =	shalt  }
0x68: {  	_ =	shalt  }
0x69: {  	_ =	shalt  }
0x6a: {  	_ =	shalt  }
0x6b: {  	_ =	shalt  }
0x6c: {  	_ =	shalt  }
0x6d: {  	_ =	shalt  }
0x6e: {  	_ =	shalt  }
0x6f: {  	_ =	shalt  }
0x70: {  	_ =	shalt  }
0x71: {  	_ =	shalt  }
0x72: {  	_ =	shalt  }
0x73: {  	_ =	shalt  }
0x74: {  	_ =	shalt  }
0x75: {  	_ =	shalt  }
0x76: {  	_ =	shalt  }
0x77: {  	_ =	shalt  }
0x78: {  	_ =	shalt  }
0x79: {  	_ =	shalt  }
0x7a: {  	_ =	shalt  }
0x7b: {  	_ =	shalt  }
0x7c: {  	_ =	shalt  }
0x7d: {  	_ =	shalt  }
0x7e: {  	_ =	shalt  }
0x7f: {  	_ =	shalt  }
0x80: {  	_ =	shalt  }
0x81: {  	_ =	shalt  }
0x82: {  	_ =	shalt  }
0x83: {  	_ =	shalt  }
0x84: {  	_ =	shalt  }
0x85: {  	_ =	shalt  }
0x86: {  	_ =	shalt  }
0x87: {  	_ =	shalt  }
.Lfunc_end0:
.L_simem_size_0:
called_computation_lowered:
.L_overlay_start_0:
0x88: {  	s2 =	sld [smem:$0x3FD9]  }
0x89: {  	s3 =	sld [smem:$0x3FFE];
	_ =	sdelay $0x1  }
0x8a: {  	s1 =	srdreg.scid  }
0x8b: {  	s0 =	sand.u32 $0x1, s1  }
0x8c: {  	s17 =	sshll.u32 s0, $0xA;
	s2 =	sadd.s32 s3, s2  }
0x8d: {  	s2 =	sadd.s32 s2, s17  }
0x8e: {  	[smem:$0x3FC2] =	sst s2  }
0x8f: {  	_ = 	snop  }
0x90: {  	s2 =	sld [smem:$0x3FC8]  }
0x91: {  	s18 =	sld [smem:$0x3FD0];
	(tm) =	ssettm $0x1  }
0x92: {  	s4 =	sld [smem:$0x3FFB];
	_ =	sdelay $0x3  }
0x93: {  	_ =	strace s4  }
0x94: {  	s4 =	sld [smem:$0x3FFC];
	_ =	sdelay $0x3  }
0x95: {  	_ =	strace s4  }
0x96: {  	s4 =	sld [smem:$0x3FFD];
	_ =	sdelay $0x3  }
0x97: {  	_ =	strace s4  }
0x98: {  	_ =	strace $0x8FFFFFFF  }
0x99: {  	s19 =	sld [smem:$0x3FDB];
	_ =	sdelay $0x1  }
0x9a: {  	s5 =	simm.s32 $_scs_section_size  }
0x9b: {  	s6 =	simm.s32 $_size__tile_overlayer_lowered;
	s7 =	simm.s32 $_tile_overlayer_lowered  }
0x9c: {  	s22 =	simm.s32 $0x1BFF;
	s21 =	sshll.u32 s7, $0x1;
	s4 =	sadd.s32 s5, s19  }
0x9d: {  	s8 =	simm.s32 $0x0;
	s20 =	sshll.u32 s6, $0x1;
	s6 =	sadd.s32 s21, s4  }
0x9e: {  	[timem:s8], [sflag:s22] =	dma.local [hbm:s6], s20  }
0x9f: {  	_ =	swait.ge [sflag:s22], s20  }
0xa0: {  	s5 =	ssub.s32 $0x0, s20;
	[sflag:s22] =	ssyncset.done $0x0  }
0xa1: {  	[sflag:s22] =	ssyncadd.s32 s5;
	_ =	sdelay $0x1  }
0xa2: {  	s23 =	simm.s32 $0x1B8B  }
0xa3: {  	_ =	swait.ge [sflag:s23], $0x1  }
0xa4: {  	[sflag:s23] =	ssyncset.done $0x0  }
0xa5: {  	s25 =	simm.s32 $0x1B8E;
	s24 =	sld [smem:$0x3FFE];
	[sflag:s23] =	ssyncadd.s32 $0xFFFFFFFF  }
0xa6: {  	s26 =	simm.s32 $execute0_lowered;
	[smem:$0x3FD2] =	sst s25  }
0xa7: {  	s6 =	sshll.u32 s26, $0x1;
	_ =	strace $0x80000046;
	[dreg:$0x1] =	wrdreg $0xFFFFFFFF  }
0xa8: {  	s28 =	simm.s32 $_size_execute0_lowered;
	s4 =	sadd.s32 s4, s6;
	[dreg:$0x0] =	wrdreg $0x0  }
0xa9: {  	s6 =	sshll.u32 s28, $0x1;
	[dreg:$0x2] =	wrdreg s4  }
0xaa: {  	[dreg:$0x3] =	wrdreg s6  }
0xab: {  	[dreg:$0x4] =	wrdreg $0xC0  }
0xac: {  	_ =	task [dreg:s8], $0x5FFFF  }
0xad: {  	[dreg:$0x1] =	wrdreg $0xFFFFFFFF  }
0xae: {  	[dreg:$0x0] =	wrdreg $0x60  }
0xaf: {  	[dreg:$0x2] =	wrdreg s24  }
0xb0: {  	[dreg:$0x3] =	wrdreg s2  }
0xb1: {  	[dreg:$0x4] =	wrdreg s18  }
0xb2: {  	[dreg:$0x5] =	wrdreg $0x9  }
0xb3: {  	_ =	task.clear_ibuf [dreg:s8], $0x6FFFF;
	_ =	strace $0x90000046  }
0xb4: {  	s29 =	simm.s32 $0x9;
	_ =	strace $0x80000048  }
0xb5: {  	_ =	swait.ge [sflag:s29], $0x1  }
0xb6: {  	[sflag:s29] =	ssyncadd.s32 $0xFFFFFFFF  }
0xb7: {  	_ =	strace $0x90000048  }
0xb8: {  	_ =	sfence  }
0xb9: {  	s30 =	sld [smem:$0x0];
	_ =	sdelay $0x2  }
0xba: {  	s31 =	sshll.u32 s1, $0xD;
	s1 =	sshrl.u32 s1, $0x2  }
0xbb: {  	s3 =	sand.u32 $0x4000, s31;
	s1 =	sadd.s32 s1, s30  }
0xbc: {  	s0 =	sor.u32 s3, s0;
	s1 =	sshll.u32 s1, $0x11  }
0xbd: {  	s0 =	sor.u32 s1, s0  }
0xbe: {  	s0 =	sadd.s32 $0x8F2B, s0  }
0xbf: {  	[sflag:s0] =	ssyncadd.remote.s32 $0x1  }
0xc0: {  	_ =	sfence.sel $0xFFFF  }
0xc1: {  	[dreg:$0x0] =	wrdreg $0xFFFFFFFF;
	(pc) =	sbr.abs _section_cstart, $3  }
0xc2: {  	[dreg:$0x1] =	wrdreg $0xFFFFFFFF  }
0xc3: {  	_ =	task.clear_ibuf [dreg:s8], $0x2FFFF;
	_ =	strace $0x9FFFFFFF  }
0xc4: {  	(tm) =	ssettm $0x7FFFFFFF  }
0xc5: {  	_ =	shalt  }
tec
execute0_lowered:
.L_overlay_start_1:
0x0: {  	(tag) =	ssettag $0x1  }
0x1: {  	s4 =	rddreg [dreg:$0x0];
	s1 =	srdreg.scid  }
0x2: {  	s0 =	stileid.u32;
	s2 =	rddreg [dreg:$0x1]  }
0x3: {  	s6 =	rddreg [dreg:$0x2];
	s3 =	simm.s32 $0x0;
	s9 =	simm.s32 $0x1C00  }
0x4: {  	s10 =	simm.s32 $0x100;
	s11 =	simm.s32 $0x180;
	s12 =	simm.s32 $0x200  }
0x5: {  	s13 =	simm.s32 $0x280;
	s14 =	simm.s32 $0x300;
	s15 =	simm.s32 $0x380  }
0x6: {  	s16 =	simm.s32 $0x400;
	s17 =	simm.s32 $0x480;
	s18 =	simm.s32 $0x500  }
0x7: {  	s19 =	simm.s32 $0x580;
	s20 =	simm.s32 $0x600;
	s21 =	simm.s32 $0x680  }
0x8: {  	s22 =	simm.s32 $0x700;
	s23 =	simm.s32 $0x780;
	s24 =	simm.s32 $0x1  }
0x9: {  	s5 =	sand.u32 $0x1, s1;
	s29 =	sshll.u32 s0, $0x1;
	s1 =	rddreg [dreg:$0x3]  }
0xa: {  	s25 =	simm.s32 $0x0;
	[smem:$0x7FF] =	sst s3;
	s7 =	sor.u32 s5, s29  }
0xb: {  	s5 =	ssub.s32 $0x2, s5;
	_ =	strace $0x80000047;
	s8 =	smul.u32 $0x380, s7  }
0xc: {  	s30 =	sshrl.u32 s5, $0x1;
	s31 =	sshll.u32 s7, $0xB;
	s7 =	simm.s32 $0x2  }
0xd: {  	s4 =	sadd.s32 s8, s4;
	s8 =	ssub.s32 s5, s30;
	s5 =	sadd.s32 s6, s31  }
0xe: {  	v0 =	vimm.f32 $0.0e+00;
	s4 =	sadd.s32 $0xE00, s4;
	s6 =	smax.u32 s8, $0x1;
	s8 =	simm.s32 $0x80  }
.LBB2_1:
0xf: {  	[tilespmem:s3], [sflag:$0x2] =	stream.linear.gather [hbm4b:s4+s3], $0x1900, $0x38;
	[tilespmem:$0x5C00] =	vst v63  }
0x10: {  	_ =	swait.ge [sflag:s7], $0x1900  }
0x11: {  	[sflag:s7] =	ssyncset.done $0x0  }
0x12: {  	s26 =	simm.s32 $0x0;
	s28 =	simm.s32 $0x200;
	[sflag:s7] =	ssyncadd.s32 $0xFFFFE700  }
.LBB2_2:
0x13: {  	p0 =	sne.s32 s28, $0xFE00;
	[tilespmem:s26+$0x1C70] =	vst v0  }
0x14: {  	[tilespmem:s26+$0x1C00] =	vst v0  }
0x15: {  	[tilespmem:s26+$0x1C10] =	vst v0  }
.Ltmp0:
0x16: {  	[tilespmem:s26+$0x1C20] =	vst v0;
	(pc) =	sbr.rel @p0 .LBB2_2-.Ltmp0, $4  }
0x17: {  	[tilespmem:s26+$0x1C30] =	vst v0  }
0x18: {  	[tilespmem:s26+$0x1C40] =	vst v0  }
0x19: {  	[tilespmem:s26+$0x1C50] =	vst v0  }
0x1a: {  	[tilespmem:s26+$0x1C60] =	vst v0;
	s26 =	sshra.s32 s28, $0x2;
	s28 =	sadd.s32 $0x200, s28  }
0x1b: {  	[tilespmem:s26+$0x1C70] =	vst v0  }
0x1c: {  	[tilespmem:s26+$0x1C00] =	vst v0  }
0x1d: {  	[tilespmem:s26+$0x1C10] =	vst v0  }
0x1e: {  	[tilespmem:s26+$0x1C20] =	vst v0  }
0x1f: {  	[tilespmem:s26+$0x1C30] =	vst v0  }
0x20: {  	[tilespmem:s26+$0x1C40] =	vst v0  }
0x21: {  	[tilespmem:s26+$0x1C50] =	vst v0  }
0x22: {  	[tilespmem:s26+$0x1C60] =	vst v0  }
0x23: {  	[tilespmem:s9], [sflag:$0x1] =	stream.indirect.gather.add.f32 [hbm:s2], $0x80, s3, s8, $0xb8;
	[tilespmem:$0x5C00] =	vst v63  }
0x24: {  	_ = 	snop  }
0x25: {  	[tilespmem:s9], [sflag:$0x1] =	stream.indirect.gather.add.f32 [hbm:s2], $0x80, s8, s8, $0xb8;
	[tilespmem:$0x5C00] =	vst v63  }
0x26: {  	_ = 	snop  }
0x27: {  	[tilespmem:s9], [sflag:$0x1] =	stream.indirect.gather.add.f32 [hbm:s2], $0x80, s10, s8, $0xb8;
	[tilespmem:$0x5C00] =	vst v63  }
0x28: {  	_ = 	snop  }
0x29: {  	[tilespmem:s9], [sflag:$0x1] =	stream.indirect.gather.add.f32 [hbm:s2], $0x80, s11, s8, $0xb8;
	[tilespmem:$0x5C00] =	vst v63  }
0x2a: {  	_ = 	snop  }
0x2b: {  	[tilespmem:s9], [sflag:$0x1] =	stream.indirect.gather.add.f32 [hbm:s2], $0x80, s12, s8, $0xb8;
	[tilespmem:$0x5C00] =	vst v63  }
0x2c: {  	_ = 	snop  }
0x2d: {  	[tilespmem:s9], [sflag:$0x1] =	stream.indirect.gather.add.f32 [hbm:s2], $0x80, s13, s8, $0xb8;
	[tilespmem:$0x5C00] =	vst v63  }
0x2e: {  	_ = 	snop  }
0x2f: {  	[tilespmem:s9], [sflag:$0x1] =	stream.indirect.gather.add.f32 [hbm:s2], $0x80, s14, s8, $0xb8;
	[tilespmem:$0x5C00] =	vst v63  }
0x30: {  	_ = 	snop  }
0x31: {  	[tilespmem:s9], [sflag:$0x1] =	stream.indirect.gather.add.f32 [hbm:s2], $0x80, s15, s8, $0xb8;
	[tilespmem:$0x5C00] =	vst v63  }
0x32: {  	_ = 	snop  }
0x33: {  	[tilespmem:s9], [sflag:$0x1] =	stream.indirect.gather.add.f32 [hbm:s2], $0x80, s16, s8, $0xb8;
	[tilespmem:$0x5C00] =	vst v63  }
0x34: {  	_ = 	snop  }
0x35: {  	[tilespmem:s9], [sflag:$0x1] =	stream.indirect.gather.add.f32 [hbm:s2], $0x80, s17, s8, $0xb8;
	[tilespmem:$0x5C00] =	vst v63  }
0x36: {  	_ = 	snop  }
0x37: {  	[tilespmem:s9], [sflag:$0x1] =	stream.indirect.gather.add.f32 [hbm:s2], $0x80, s18, s8, $0xb8;
	[tilespmem:$0x5C00] =	vst v63  }
0x38: {  	_ = 	snop  }
0x39: {  	[tilespmem:s9], [sflag:$0x1] =	stream.indirect.gather.add.f32 [hbm:s2], $0x80, s19, s8, $0xb8;
	[tilespmem:$0x5C00] =	vst v63  }
0x3a: {  	_ = 	snop  }
0x3b: {  	[tilespmem:s9], [sflag:$0x1] =	stream.indirect.gather.add.f32 [hbm:s2], $0x80, s20, s8, $0xb8;
	[tilespmem:$0x5C00] =	vst v63  }
0x3c: {  	_ = 	snop  }
0x3d: {  	[tilespmem:s9], [sflag:$0x1] =	stream.indirect.gather.add.f32 [hbm:s2], $0x80, s21, s8, $0xb8;
	[tilespmem:$0x5C00] =	vst v63  }
0x3e: {  	_ = 	snop  }
0x3f: {  	[tilespmem:s9], [sflag:$0x1] =	stream.indirect.gather.add.f32 [hbm:s2], $0x80, s22, s8, $0xb8;
	[tilespmem:$0x5C00] =	vst v63  }
0x40: {  	_ = 	snop  }
0x41: {  	[tilespmem:s9], [sflag:$0x1] =	stream.indirect.gather.add.f32 [hbm:s2], $0x80, s23, s8, $0xb8;
	[tilespmem:$0x5C00] =	vst v63  }
0x42: {  	_ =	swait.ge [sflag:s24], $0x4000  }
0x43: {  	[sflag:s24] =	ssyncset.done $0x0  }
0x44: {  	s26 =	simm.s32 $0x2200;
	s28 =	simm.s32 $0x800;
	[sflag:s24] =	ssyncadd.s32 $0xFFFFC000  }
.LBB2_4:
0x45: {  	[tilespmem:s9], [sflag:$0x1] =	stream.indirect.gather.add.f32 [hbm:s2], $0x80, s28, s8, $0xb8;
	[tilespmem:$0x5C00] =	vst v63  }
0x46: {  	s28 =	smov.u32 s26;
	p0 =	sne.s32 s26, $0x6200  }
.Ltmp1:
0x47: {  	s26 =	sadd.s32 $0x200, s26;
	(pc) =	sbr.rel @p0 .LBB2_4-.Ltmp1, $4  }
0x48: {  	_ = 	snop  }
0x49: {  	_ =	swait.ge [sflag:s24], $0x4000  }
0x4a: {  	[sflag:s24] =	ssyncset.done $0x0  }
0x4b: {  	s28 =	sshra.s32 s28, $0x2;
	[sflag:s24] =	ssyncadd.s32 $0xFFFFC000  }
0x4c: {  	[tilespmem:s9], [sflag:$0x1] =	stream.indirect.gather.add.f32 [hbm:s2], $0x80, s28, s8, $0xb8;
	[tilespmem:$0x5C00] =	vst v63  }
0x4d: {  	_ =	swait.ge [sflag:s24], $0x4000  }
0x4e: {  	[sflag:s24] =	ssyncset.done $0x0  }
0x4f: {  	[sflag:s24] =	ssyncadd.s32 $0xFFFFC000  }
0x50: {  	_ =	swait.ge [sflag:s24], $0x4000  }
0x51: {  	[sflag:s24] =	ssyncset.done $0x0  }
0x52: {  	[sflag:s24] =	ssyncadd.s32 $0xFFFFC000  }
0x53: {  	_ =	swait.ge [sflag:s24], $0x4000  }
0x54: {  	[sflag:s24] =	ssyncset.done $0x0  }
0x55: {  	[sflag:s24] =	ssyncadd.s32 $0xFFFFC000  }
0x56: {  	_ =	swait.ge [sflag:s24], $0x4000  }
0x57: {  	[sflag:s24] =	ssyncset.done $0x0  }
0x58: {  	[sflag:s24] =	ssyncadd.s32 $0xFFFFC000  }
0x59: {  	_ =	swait.ge [sflag:s24], $0x4000  }
0x5a: {  	[sflag:s24] =	ssyncset.done $0x0  }
0x5b: {  	[sflag:s24] =	ssyncadd.s32 $0xFFFFC000  }
0x5c: {  	_ =	swait.ge [sflag:s24], $0x4000  }
0x5d: {  	[sflag:s24] =	ssyncset.done $0x0  }
0x5e: {  	[sflag:s24] =	ssyncadd.s32 $0xFFFFC000  }
0x5f: {  	_ =	swait.ge [sflag:s24], $0x4000  }
0x60: {  	[sflag:s24] =	ssyncset.done $0x0  }
0x61: {  	[sflag:s24] =	ssyncadd.s32 $0xFFFFC000  }
0x62: {  	_ =	swait.ge [sflag:s24], $0x4000  }
0x63: {  	[sflag:s24] =	ssyncset.done $0x0  }
0x64: {  	[sflag:s24] =	ssyncadd.s32 $0xFFFFC000  }
0x65: {  	_ =	swait.ge [sflag:s24], $0x4000  }
0x66: {  	[sflag:s24] =	ssyncset.done $0x0  }
0x67: {  	[sflag:s24] =	ssyncadd.s32 $0xFFFFC000  }
0x68: {  	_ =	swait.ge [sflag:s24], $0x4000  }
0x69: {  	[sflag:s24] =	ssyncset.done $0x0  }
0x6a: {  	[sflag:s24] =	ssyncadd.s32 $0xFFFFC000  }
0x6b: {  	_ =	swait.ge [sflag:s24], $0x4000  }
0x6c: {  	[sflag:s24] =	ssyncset.done $0x0  }
0x6d: {  	[sflag:s24] =	ssyncadd.s32 $0xFFFFC000  }
0x6e: {  	_ =	swait.ge [sflag:s24], $0x4000  }
0x6f: {  	[sflag:s24] =	ssyncset.done $0x0  }
0x70: {  	[sflag:s24] =	ssyncadd.s32 $0xFFFFC000  }
0x71: {  	_ =	swait.ge [sflag:s24], $0x4000  }
0x72: {  	[sflag:s24] =	ssyncset.done $0x0  }
0x73: {  	[sflag:s24] =	ssyncadd.s32 $0xFFFFC000  }
0x74: {  	_ =	swait.ge [sflag:s24], $0x4000  }
0x75: {  	[sflag:s24] =	ssyncset.done $0x0  }
0x76: {  	[sflag:s24] =	ssyncadd.s32 $0xFFFFC000  }
0x77: {  	_ =	swait.ge [sflag:s24], $0x4000  }
0x78: {  	[sflag:s24] =	ssyncset.done $0x0  }
0x79: {  	[sflag:s24] =	ssyncadd.s32 $0xFFFFC000  }
0x7a: {  	s25 =	sadd.s32 $0x1, s25;
	_ =	swait.ge [sflag:s24], $0x4000  }
0x7b: {  	p0 =	sne.s32 s25, s6;
	[sflag:s24] =	ssyncset.done $0x0  }
.Ltmp2:
0x7c: {  	[sflag:s24] =	ssyncadd.s32 $0xFFFFC000;
	(pc) =	sbr.rel @p0 .LBB2_1-.Ltmp2, $4  }
0x7d: {  	[hbm4b:s5+s3] =	stream.linear.scatter [tilespmem:s9], [sflag:$0x2], $0x4000, $0x38;
	[tilespmem:$0x5C00] =	vst v63  }
0x7e: {  	_ =	swait.ge [sflag:s7], $0x4000  }
0x7f: {  	[sflag:s7] =	ssyncset.done $0x0  }
0x80: {  	[sflag:s7] =	ssyncadd.s32 $0xFFFFC000  }
0x81: {  	_ =	sfence.sel $0x180000  }
0x82: {  	[bflag:$0x0] =	sbarrier.arrive $0xFFFF  }
0x83: {  	p0 =	sne.s32 s0, $0x0;
	_ =	strace $0x90000047  }
0x84: {  	s0 =	sadd.s32 @!p0 $0x100000, s1;
	[bflag:$0x2] =	sbarrier.arrive $0xFFFF  }
0x85: {  	[sflag:s0] =	ssyncadd.tile.s32 @!p0 $0x1;
	_ =	shalt  }
.Lfunc_end2:
_tile_overlayer_lowered:
.L_overlay_start_2:
0x86: {  	(tag) =	ssettag $0x2  }
0x87: {  	s0 =	rddreg [dreg:$0x0];
	s2 =	stileid.u32  }
0x88: {  	s1 =	rddreg [dreg:$0x1];
	p0 =	sne.s32 s2, $0x0  }
0x89: {  	s3 =	rddreg [dreg:$0x2];
	[bflag:$0x3] =	sbarrier.arrive $0xFFFF;
	s2 =	simm.s32 @!p0 $0x1C02  }
0x8a: {  	[timem:s3], [sflag:s2] =	dma.local @!p0 [hbm:s0], s1  }
0x8b: {  	s0 =	simm.s32 @!p0 $0x2  }
0x8c: {  	_ =	swait.ge @!p0 [sflag:s0], s1  }
0x8d: {  	s1 =	ssub.s32 @!p0 $0x0, s1;
	[sflag:s0] =	ssyncset.done @!p0 $0x0  }
0x8e: {  	[sflag:s0] =	ssyncadd.s32 @!p0 s1  }
0x8f: {  	[bflag:$0x3] =	sbarrier.arrive $0xFFFF  }
0x90: {  	_ =	shalt  }

</sc_bundles>
